<compile_context>
chip_gen: v7x
topology: tpu7x:2x2x1
jax: 0.10.2.dev20260603
libtpu: 0.0.44.dev20260713+nightly
codegen_flags: <defaults>
</compile_context>

<pallas_src>
import functools

import jax
import jax.numpy as jnp
from jax import lax
from jax.experimental import pallas as pl
from jax.experimental.pallas import tpu as pltpu
from jax.experimental.pallas import tpu_sc as plsc

G = 8
KD = 64
C = 8192
N = 16
T = 1024
CT = 1024
NCT = C // CT
B = G * N * T


KA = 72


def _prep_body(emb_ref, embt_ref, aug_ref):
    e = emb_ref[0]
    et = e.T
    embt_ref[0] = jnp.concatenate(
        [et, jnp.zeros((CT, 128 - KD), jnp.float32)], axis=1)
    etm2 = (et * -2.0).astype(jnp.bfloat16)
    e2 = jnp.sum(et * et, axis=1, keepdims=True)
    h1 = e2.astype(jnp.bfloat16)
    r1 = e2 - h1.astype(jnp.float32)
    h2 = r1.astype(jnp.bfloat16)
    r2 = r1 - h2.astype(jnp.float32)
    h3 = r2.astype(jnp.bfloat16)
    zpad = jnp.zeros((CT, KA - KD - 3), jnp.bfloat16)
    aug_ref[0] = jnp.concatenate([etm2, h1, h2, h3, zpad], axis=1)


def _prep(embeddings):
    return pl.pallas_call(
        _prep_body,
        grid=(G, NCT),
        in_specs=[pl.BlockSpec((1, KD, CT), lambda g, c: (g, 0, c))],
        out_specs=[
            pl.BlockSpec((1, CT, 128), lambda g, c: (g, c, 0)),
            pl.BlockSpec((1, CT, KA), lambda g, c: (g, c, 0)),
        ],
        out_shape=[
            jax.ShapeDtypeStruct((G, C, 128), jnp.float32),
            jax.ShapeDtypeStruct((G, C, KA), jnp.bfloat16),
        ],
    )(embeddings)


NCH = 8
CH = C // NCH


def _argmin_body(x_ref, aug_ref, idx_ref):
    g = pl.program_id(0)
    xb = x_ref[0, 0].astype(jnp.bfloat16)
    onepad = jnp.where(
        lax.broadcasted_iota(jnp.int32, (KA - KD, T), 0) < 3,
        1.0, 0.0).astype(jnp.bfloat16)
    xa = jnp.concatenate([xb, onepad], axis=0)
    s = lax.dot_general(aug_ref[0], xa, (((1,), (0,)), ((), ())),
                        preferred_element_type=jnp.float32)
    idx_ref[0, 0, 0, :] = jnp.argmin(s, axis=0).astype(jnp.int32) + g * C


def _argmin(zr, aug):
    return pl.pallas_call(
        _argmin_body,
        grid=(G, N),
        in_specs=[
            pl.BlockSpec((1, 1, KD, T), lambda g, n: (n, g, 0, 0)),
            pl.BlockSpec((1, C, KA), lambda g, n: (g, 0, 0)),
        ],
        out_specs=pl.BlockSpec((1, 1, 1, T), lambda g, n: (g, n, 0, 0)),
        out_shape=jax.ShapeDtypeStruct((G, N, 1, T), jnp.int32),
    )(zr, aug)


_NW = 32
_BPW = B // _NW
_CH = 128


_NB = 4
_NCHK = _BPW // _CH


def _gather(table, idx2d):
    mesh = plsc.VectorSubcoreMesh(core_axis_name="c", subcore_axis_name="s")

    @functools.partial(
        pl.kernel,
        mesh=mesh,
        out_type=jax.ShapeDtypeStruct((B, 128), jnp.float32),
        scratch_types=[
            pltpu.VMEM((_NCHK, _CH), jnp.int32),
            [pltpu.VMEM((_CH, 128), jnp.float32) for _ in range(_NB)],
            [pltpu.SemaphoreType.DMA for _ in range(_NB)],
        ],
    )
    def gk(tab, idx, out, idx_v, bufs, sems):
        wid = lax.axis_index("s") * 2 + lax.axis_index("c")
        pltpu.sync_copy(idx.at[pl.ds(wid * _NCHK, _NCHK)], idx_v)
        base = wid * _NCHK

        def body(j, carry):
            b = j * _NB
            cps = [
                pltpu.async_copy(tab.at[idx_v.at[b + k]], bufs[k], sems[k])
                for k in range(_NB)
            ]
            for k in range(_NB):
                cps[k].wait()
                pltpu.sync_copy(
                    bufs[k], out.at[pl.ds((base + b + k) * _CH, _CH)])
            return carry

        lax.fori_loop(0, _NCHK // _NB, body, 0)

    return gk(table, idx2d)


def _asm_body(q_ref, x_ref, out_ref, loss_ref):
    nidx = pl.program_id(0)
    gidx = pl.program_id(1)
    q = q_ref[0, 0, :, :KD]
    x = x_ref[0, 0]
    qt = q.T
    d = qt - x
    out_ref[0, 0] = x + d

    @pl.when(gidx == 0)
    def _():
        loss_ref[nidx, 0] = 0.0

    loss_ref[nidx, 0] += jnp.sum(d * d)


def _assemble(q4, zr):
    return pl.pallas_call(
        _asm_body,
        grid=(N, G),
        in_specs=[
            pl.BlockSpec((1, 1, T, 128), lambda n, g: (g, n, 0, 0)),
            pl.BlockSpec((1, 1, KD, T), lambda n, g: (n, g, 0, 0)),
        ],
        out_specs=[
            pl.BlockSpec((1, 1, KD, T), lambda n, g: (n, g, 0, 0)),
            pl.BlockSpec((N, 1), lambda n, g: (0, 0),
                         memory_space=pltpu.SMEM),
        ],
        out_shape=[
            jax.ShapeDtypeStruct((N, G, KD, T), jnp.float32),
            jax.ShapeDtypeStruct((N, 1), jnp.float32),
        ],
    )(q4, zr)


def kernel(z, embeddings):
    zr = z.reshape(N, G, KD, T)
    embt, aug = _prep(embeddings)
    idx = _argmin(zr, aug)
    q = _gather(embt.reshape(G * C, 128), idx.reshape(B // _CH, _CH))
    out4, loss = _assemble(q.reshape(G, N, T, 128), zr)
    q_merge = out4.reshape(N, 128, 4096)
    vq_loss = loss[:, 0] * (0.25 / (KD * T * G))
    return (q_merge, vq_loss)

# --- scband reference (transcript-rebuilt; emitter-appended) ---
"""Pipeline reference for scband-group-quantize-81355270521165 (READ-ONLY COPY).

The authoritative reference and input builder live on the scoring server;
editing this copy changes nothing except your own understanding.
"""

import jax, jax.numpy as jnp
import numpy as np

NUM_GROUPS = 8
K = 64
CODEBOOK = 8192
VQ_COMMIT = 0.25


def setup_inputs(seed: int = 0) -> dict:
    key = jax.random.key(seed)
    k1, k2 = jax.random.split(key)
    z = jax.random.normal(k1, (16, 128, 4096), dtype=jnp.float32)
    # One EMA codebook per group, shape (K, codebook_size) to match torch buffer layout
    embeddings = jax.random.normal(k2, (NUM_GROUPS, K, CODEBOOK), dtype=jnp.float32)
    return {"z": z, "embeddings": embeddings}


def _quantize_group(inp, emb):
    # inp: (N, K, T); emb: (K, CODEBOOK)
    x = jnp.transpose(inp, (0, 2, 1))  # input.transpose(1, -1) -> (N, T, K)
    N, T, _ = x.shape
    flatten = x.reshape(-1, K)
    dist = (jnp.sum(flatten ** 2, axis=1, keepdims=True)
            - 2.0 * (flatten @ emb)
            + jnp.sum(emb ** 2, axis=0, keepdims=True))
    embedding_ind = jnp.argmin(dist, axis=1)
    embedding_ind = embedding_ind.reshape(N, T)
    quantize = jnp.take(emb.T, embedding_ind, axis=0)  # F.embedding(ind, emb.T)
    diff = VQ_COMMIT * jnp.mean((jax.lax.stop_gradient(quantize) - x) ** 2, axis=(1, 2))
    quantize = x + jax.lax.stop_gradient(quantize - x)  # straight-through
    quantize = jnp.transpose(quantize, (0, 2, 1))  # back to (N, K, T)
    return quantize, diff


def reference(z, embeddings):
    N = z.shape[0]
    zz = z.reshape(N, z.shape[1] * 4, -1)  # (N, 512, 1024)
    assert zz.shape[1] == K * NUM_GROUPS
    q_list = []
    vq_loss = jnp.zeros((N,), dtype=z.dtype)
    for i in range(NUM_GROUPS):
        q_i, d = _quantize_group(zz[:, K * i:K * (i + 1), :], embeddings[i])
        q_list.append(q_i)
        vq_loss = vq_loss + d
    q_merge = jnp.concatenate(q_list, axis=1)
    q_merge = q_merge.reshape(N, zz.shape[1] // 4, -1)
    return (q_merge, vq_loss / NUM_GROUPS)

if __name__ == "__main__":
    import jax
    _d = setup_inputs()
    print(jax.jit(kernel)(*tuple(_d.values())))

</pallas_src>

<mosaic_0001>
#map = affine_map<(d0, d1) -> (0, 0)>
module attributes {stable_mosaic.version = 14 : i64} {
  func.func @gk(%arg0: i32, %arg1: i32, %arg2: memref<65536x128xf32, #tpu.memory_space<hbm>>, %arg3: memref<1024x128xi32, #tpu.memory_space<hbm>>, %arg4: memref<131072x128xf32, #tpu.memory_space<hbm>>, %arg5: memref<32x128xi32, #tpu.memory_space<vmem>>, %arg6: memref<128x128xf32, #tpu.memory_space<vmem>>, %arg7: memref<128x128xf32, #tpu.memory_space<vmem>>, %arg8: memref<128x128xf32, #tpu.memory_space<vmem>>, %arg9: memref<128x128xf32, #tpu.memory_space<vmem>>, %arg10: memref<!tpu.dma_semaphore, #tpu.memory_space<semaphore_mem>>, %arg11: memref<!tpu.dma_semaphore, #tpu.memory_space<semaphore_mem>>, %arg12: memref<!tpu.dma_semaphore, #tpu.memory_space<semaphore_mem>>, %arg13: memref<!tpu.dma_semaphore, #tpu.memory_space<semaphore_mem>>) attributes {dimension_semantics = [#tpu.dimension_semantics<core_parallel>, #tpu.dimension_semantics<subcore_parallel>], iteration_bounds = array<i64: 2, 16>, scalar_prefetch = 0 : i64, scratch_operands = 9 : i64, tpu.core_type = #tpu.core_type<sc_vector_subcore>, window_params = [{transform_indices = #map}, {transform_indices = #map}, {transform_indices = #map}]} {
    %mul3A = arith.constant 2 : i32
    %mul3A_0 = arith.muli %arg1, %mul3A : i32
    %add3A = arith.addi %mul3A_0, %arg0 : i32
    %mul3A_1 = arith.constant 32 : i32
    %mul3A_2 = arith.muli %add3A, %mul3A_1 : i32
    "tpu.region"() ({
      %run_scoped3A = tpu.sem_alloc : memref<!tpu.dma_semaphore, #tpu.memory_space<semaphore_mem>>
      %dma_start3A = arith.constant 0 : i32
      %dma_start3A_10 = tpu.memref_slice %arg3[%mul3A_2, %dma_start3A] : memref<1024x128xi32, #tpu.memory_space<hbm>> -> memref<32x128xi32, #tpu.memory_space<hbm>>
      %dma_start3A_11 = arith.constant 0 : i32
      %dma_start3A_12 = tpu.memref_slice %arg3[%mul3A_2, %dma_start3A_11] : memref<1024x128xi32, #tpu.memory_space<hbm>> -> memref<32x128xi32, #tpu.memory_space<hbm>>
      tpu.enqueue_dma source(%dma_start3A_12 : memref<32x128xi32, #tpu.memory_space<hbm>>) target(%arg5 : memref<32x128xi32, #tpu.memory_space<vmem>>) target_semaphore(%run_scoped3A : memref<!tpu.dma_semaphore, #tpu.memory_space<semaphore_mem>>)
      %dma_wait3A = arith.constant 0 : i32
      %dma_wait3A_13 = tpu.memref_slice %arg3[%mul3A_2, %dma_wait3A] : memref<1024x128xi32, #tpu.memory_space<hbm>> -> memref<32x128xi32, #tpu.memory_space<hbm>>
      %dma_wait3A_14 = arith.constant 0 : i32
      %dma_wait3A_15 = tpu.memref_slice %arg3[%mul3A_2, %dma_wait3A_14] : memref<1024x128xi32, #tpu.memory_space<hbm>> -> memref<32x128xi32, #tpu.memory_space<hbm>>
      tpu.wait_dma2 semaphore(%run_scoped3A : memref<!tpu.dma_semaphore, #tpu.memory_space<semaphore_mem>>) src(%dma_wait3A_15 : memref<32x128xi32, #tpu.memory_space<hbm>>) dst(%arg5 : memref<32x128xi32, #tpu.memory_space<vmem>>)
      tpu.yield
    }) : () -> ()
    %mul3A_3 = arith.constant 32 : i32
    %mul3A_4 = arith.muli %add3A, %mul3A_3 : i32
    %scan3A = arith.constant 0 : i32
    %scan3A_5 = arith.constant 0 : i32
    %scan3A_6 = arith.constant 8 : i32
    %scan3A_7 = arith.addi %scan3A_5, %scan3A_6 : i32
    %scan3A_8 = arith.constant 1 : i32
    scf.for %scan3A_10 = %scan3A_5 to %scan3A_7 step %scan3A_8  : i32 {
      %mul3A_11 = arith.constant 4 : i32
      %mul3A_12 = arith.muli %scan3A_10, %mul3A_11 : i32
      %add3A_13 = arith.constant 0 : i32
      %add3A_14 = arith.addi %mul3A_12, %add3A_13 : i32
      %dma_start3A = arith.constant 0 : i32
      %dma_start3A_15 = tpu.memref_slice %arg5[%add3A_14, %dma_start3A] : memref<32x128xi32, #tpu.memory_space<vmem>> -> memref<1x128xi32, #tpu.memory_space<vmem>>
      %dma_start3A_16 = tpu.memref_squeeze %dma_start3A_15 : memref<1x128xi32, #tpu.memory_space<vmem>> -> memref<128xi32, #tpu.memory_space<vmem>>
      %dma_start3A_17 = arith.constant 0 : i32
      %dma_start3A_18 = arith.constant 0 : i32
      %dma_start3A_19 = tpu.memref_slice %arg2[%dma_start3A_17, %dma_start3A_18] : memref<65536x128xf32, #tpu.memory_space<hbm>> -> memref<65536x128xf32, #tpu.memory_space<hbm>>
      tpu.enqueue_indirect_dma source(%dma_start3A_19 : memref<65536x128xf32, #tpu.memory_space<hbm>>) target(%arg6 : memref<128x128xf32, #tpu.memory_space<vmem>>) offsets(%dma_start3A_16 : memref<128xi32, #tpu.memory_space<vmem>>) semaphore(%arg10 : memref<!tpu.dma_semaphore, #tpu.memory_space<semaphore_mem>>)
      %add3A_20 = arith.constant 1 : i32
      %add3A_21 = arith.addi %mul3A_12, %add3A_20 : i32
      %dma_start3A_22 = arith.constant 0 : i32
      %dma_start3A_23 = tpu.memref_slice %arg5[%add3A_21, %dma_start3A_22] : memref<32x128xi32, #tpu.memory_space<vmem>> -> memref<1x128xi32, #tpu.memory_space<vmem>>
      %dma_start3A_24 = tpu.memref_squeeze %dma_start3A_23 : memref<1x128xi32, #tpu.memory_space<vmem>> -> memref<128xi32, #tpu.memory_space<vmem>>
      %dma_start3A_25 = arith.constant 0 : i32
      %dma_start3A_26 = arith.constant 0 : i32
      %dma_start3A_27 = tpu.memref_slice %arg2[%dma_start3A_25, %dma_start3A_26] : memref<65536x128xf32, #tpu.memory_space<hbm>> -> memref<65536x128xf32, #tpu.memory_space<hbm>>
      tpu.enqueue_indirect_dma source(%dma_start3A_27 : memref<65536x128xf32, #tpu.memory_space<hbm>>) target(%arg7 : memref<128x128xf32, #tpu.memory_space<vmem>>) offsets(%dma_start3A_24 : memref<128xi32, #tpu.memory_space<vmem>>) semaphore(%arg11 : memref<!tpu.dma_semaphore, #tpu.memory_space<semaphore_mem>>)
      %add3A_28 = arith.constant 2 : i32
      %add3A_29 = arith.addi %mul3A_12, %add3A_28 : i32
      %dma_start3A_30 = arith.constant 0 : i32
      %dma_start3A_31 = tpu.memref_slice %arg5[%add3A_29, %dma_start3A_30] : memref<32x128xi32, #tpu.memory_space<vmem>> -> memref<1x128xi32, #tpu.memory_space<vmem>>
      %dma_start3A_32 = tpu.memref_squeeze %dma_start3A_31 : memref<1x128xi32, #tpu.memory_space<vmem>> -> memref<128xi32, #tpu.memory_space<vmem>>
      %dma_start3A_33 = arith.constant 0 : i32
      %dma_start3A_34 = arith.constant 0 : i32
      %dma_start3A_35 = tpu.memref_slice %arg2[%dma_start3A_33, %dma_start3A_34] : memref<65536x128xf32, #tpu.memory_space<hbm>> -> memref<65536x128xf32, #tpu.memory_space<hbm>>
      tpu.enqueue_indirect_dma source(%dma_start3A_35 : memref<65536x128xf32, #tpu.memory_space<hbm>>) target(%arg8 : memref<128x128xf32, #tpu.memory_space<vmem>>) offsets(%dma_start3A_32 : memref<128xi32, #tpu.memory_space<vmem>>) semaphore(%arg12 : memref<!tpu.dma_semaphore, #tpu.memory_space<semaphore_mem>>)
      %add3A_36 = arith.constant 3 : i32
      %add3A_37 = arith.addi %mul3A_12, %add3A_36 : i32
      %dma_start3A_38 = arith.constant 0 : i32
      %dma_start3A_39 = tpu.memref_slice %arg5[%add3A_37, %dma_start3A_38] : memref<32x128xi32, #tpu.memory_space<vmem>> -> memref<1x128xi32, #tpu.memory_space<vmem>>
      %dma_start3A_40 = tpu.memref_squeeze %dma_start3A_39 : memref<1x128xi32, #tpu.memory_space<vmem>> -> memref<128xi32, #tpu.memory_space<vmem>>
      %dma_start3A_41 = arith.constant 0 : i32
      %dma_start3A_42 = arith.constant 0 : i32
      %dma_start3A_43 = tpu.memref_slice %arg2[%dma_start3A_41, %dma_start3A_42] : memref<65536x128xf32, #tpu.memory_space<hbm>> -> memref<65536x128xf32, #tpu.memory_space<hbm>>
      tpu.enqueue_indirect_dma source(%dma_start3A_43 : memref<65536x128xf32, #tpu.memory_space<hbm>>) target(%arg9 : memref<128x128xf32, #tpu.memory_space<vmem>>) offsets(%dma_start3A_40 : memref<128xi32, #tpu.memory_space<vmem>>) semaphore(%arg13 : memref<!tpu.dma_semaphore, #tpu.memory_space<semaphore_mem>>)
      %dma_wait3A = arith.constant 0 : i32
      %dma_wait3A_44 = tpu.memref_slice %arg5[%add3A_14, %dma_wait3A] : memref<32x128xi32, #tpu.memory_space<vmem>> -> memref<1x128xi32, #tpu.memory_space<vmem>>
      %dma_wait3A_45 = tpu.memref_squeeze %dma_wait3A_44 : memref<1x128xi32, #tpu.memory_space<vmem>> -> memref<128xi32, #tpu.memory_space<vmem>>
      %dma_wait3A_46 = arith.constant 0 : i32
      %dma_wait3A_47 = arith.constant 0 : i32
      %dma_wait3A_48 = tpu.memref_slice %arg2[%dma_wait3A_46, %dma_wait3A_47] : memref<65536x128xf32, #tpu.memory_space<hbm>> -> memref<65536x128xf32, #tpu.memory_space<hbm>>
      tpu.wait_indirect_dma semaphore(%arg10 : memref<!tpu.dma_semaphore, #tpu.memory_space<semaphore_mem>>) src(%dma_wait3A_48 : memref<65536x128xf32, #tpu.memory_space<hbm>>) dst(%arg6 : memref<128x128xf32, #tpu.memory_space<vmem>>)
      %add3A_49 = arith.addi %mul3A_4, %mul3A_12 : i32
      %add3A_50 = arith.constant 0 : i32
      %add3A_51 = arith.addi %add3A_49, %add3A_50 : i32
      %mul3A_52 = arith.constant 128 : i32
      %mul3A_53 = arith.muli %add3A_51, %mul3A_52 : i32
      "tpu.region"() ({
        %run_scoped3A = tpu.sem_alloc : memref<!tpu.dma_semaphore, #tpu.memory_space<semaphore_mem>>
        %dma_start3A_87 = arith.constant 0 : i32
        %dma_start3A_88 = tpu.memref_slice %arg4[%mul3A_53, %dma_start3A_87] : memref<131072x128xf32, #tpu.memory_space<hbm>> -> memref<128x128xf32, #tpu.memory_space<hbm>>
        %dma_start3A_89 = arith.constant 0 : i32
        %dma_start3A_90 = tpu.memref_slice %arg4[%mul3A_53, %dma_start3A_89] : memref<131072x128xf32, #tpu.memory_space<hbm>> -> memref<128x128xf32, #tpu.memory_space<hbm>>
        tpu.enqueue_dma source(%arg6 : memref<128x128xf32, #tpu.memory_space<vmem>>) target(%dma_start3A_90 : memref<128x128xf32, #tpu.memory_space<hbm>>) target_semaphore(%run_scoped3A : memref<!tpu.dma_semaphore, #tpu.memory_space<semaphore_mem>>)
        %dma_wait3A_91 = arith.constant 0 : i32
        %dma_wait3A_92 = tpu.memref_slice %arg4[%mul3A_53, %dma_wait3A_91] : memref<131072x128xf32, #tpu.memory_space<hbm>> -> memref<128x128xf32, #tpu.memory_space<hbm>>
        %dma_wait3A_93 = arith.constant 0 : i32
        %dma_wait3A_94 = tpu.memref_slice %arg4[%mul3A_53, %dma_wait3A_93] : memref<131072x128xf32, #tpu.memory_space<hbm>> -> memref<128x128xf32, #tpu.memory_space<hbm>>
        tpu.wait_dma2 semaphore(%run_scoped3A : memref<!tpu.dma_semaphore, #tpu.memory_space<semaphore_mem>>) src(%arg6 : memref<128x128xf32, #tpu.memory_space<vmem>>) dst(%dma_wait3A_94 : memref<128x128xf32, #tpu.memory_space<hbm>>)
        tpu.yield
      }) : () -> ()
      %dma_wait3A_54 = arith.constant 0 : i32
      %dma_wait3A_55 = tpu.memref_slice %arg5[%add3A_21, %dma_wait3A_54] : memref<32x128xi32, #tpu.memory_space<vmem>> -> memref<1x128xi32, #tpu.memory_space<vmem>>
      %dma_wait3A_56 = tpu.memref_squeeze %dma_wait3A_55 : memref<1x128xi32, #tpu.memory_space<vmem>> -> memref<128xi32, #tpu.memory_space<vmem>>
      %dma_wait3A_57 = arith.constant 0 : i32
      %dma_wait3A_58 = arith.constant 0 : i32
      %dma_wait3A_59 = tpu.memref_slice %arg2[%dma_wait3A_57, %dma_wait3A_58] : memref<65536x128xf32, #tpu.memory_space<hbm>> -> memref<65536x128xf32, #tpu.memory_space<hbm>>
      tpu.wait_indirect_dma semaphore(%arg11 : memref<!tpu.dma_semaphore, #tpu.memory_space<semaphore_mem>>) src(%dma_wait3A_59 : memref<65536x128xf32, #tpu.memory_space<hbm>>) dst(%arg7 : memref<128x128xf32, #tpu.memory_space<vmem>>)
      %add3A_60 = arith.addi %mul3A_4, %mul3A_12 : i32
      %add3A_61 = arith.constant 1 : i32
      %add3A_62 = arith.addi %add3A_60, %add3A_61 : i32
      %mul3A_63 = arith.constant 128 : i32
      %mul3A_64 = arith.muli %add3A_62, %mul3A_63 : i32
      "tpu.region"() ({
        %run_scoped3A = tpu.sem_alloc : memref<!tpu.dma_semaphore, #tpu.memory_space<semaphore_mem>>
        %dma_start3A_87 = arith.constant 0 : i32
        %dma_start3A_88 = tpu.memref_slice %arg4[%mul3A_64, %dma_start3A_87] : memref<131072x128xf32, #tpu.memory_space<hbm>> -> memref<128x128xf32, #tpu.memory_space<hbm>>
        %dma_start3A_89 = arith.constant 0 : i32
        %dma_start3A_90 = tpu.memref_slice %arg4[%mul3A_64, %dma_start3A_89] : memref<131072x128xf32, #tpu.memory_space<hbm>> -> memref<128x128xf32, #tpu.memory_space<hbm>>
        tpu.enqueue_dma source(%arg7 : memref<128x128xf32, #tpu.memory_space<vmem>>) target(%dma_start3A_90 : memref<128x128xf32, #tpu.memory_space<hbm>>) target_semaphore(%run_scoped3A : memref<!tpu.dma_semaphore, #tpu.memory_space<semaphore_mem>>)
        %dma_wait3A_91 = arith.constant 0 : i32
        %dma_wait3A_92 = tpu.memref_slice %arg4[%mul3A_64, %dma_wait3A_91] : memref<131072x128xf32, #tpu.memory_space<hbm>> -> memref<128x128xf32, #tpu.memory_space<hbm>>
        %dma_wait3A_93 = arith.constant 0 : i32
        %dma_wait3A_94 = tpu.memref_slice %arg4[%mul3A_64, %dma_wait3A_93] : memref<131072x128xf32, #tpu.memory_space<hbm>> -> memref<128x128xf32, #tpu.memory_space<hbm>>
        tpu.wait_dma2 semaphore(%run_scoped3A : memref<!tpu.dma_semaphore, #tpu.memory_space<semaphore_mem>>) src(%arg7 : memref<128x128xf32, #tpu.memory_space<vmem>>) dst(%dma_wait3A_94 : memref<128x128xf32, #tpu.memory_space<hbm>>)
        tpu.yield
      }) : () -> ()
      %dma_wait3A_65 = arith.constant 0 : i32
      %dma_wait3A_66 = tpu.memref_slice %arg5[%add3A_29, %dma_wait3A_65] : memref<32x128xi32, #tpu.memory_space<vmem>> -> memref<1x128xi32, #tpu.memory_space<vmem>>
      %dma_wait3A_67 = tpu.memref_squeeze %dma_wait3A_66 : memref<1x128xi32, #tpu.memory_space<vmem>> -> memref<128xi32, #tpu.memory_space<vmem>>
      %dma_wait3A_68 = arith.constant 0 : i32
      %dma_wait3A_69 = arith.constant 0 : i32
      %dma_wait3A_70 = tpu.memref_slice %arg2[%dma_wait3A_68, %dma_wait3A_69] : memref<65536x128xf32, #tpu.memory_space<hbm>> -> memref<65536x128xf32, #tpu.memory_space<hbm>>
      tpu.wait_indirect_dma semaphore(%arg12 : memref<!tpu.dma_semaphore, #tpu.memory_space<semaphore_mem>>) src(%dma_wait3A_70 : memref<65536x128xf32, #tpu.memory_space<hbm>>) dst(%arg8 : memref<128x128xf32, #tpu.memory_space<vmem>>)
      %add3A_71 = arith.addi %mul3A_4, %mul3A_12 : i32
      %add3A_72 = arith.constant 2 : i32
      %add3A_73 = arith.addi %add3A_71, %add3A_72 : i32
      %mul3A_74 = arith.constant 128 : i32
      %mul3A_75 = arith.muli %add3A_73, %mul3A_74 : i32
      "tpu.region"() ({
        %run_scoped3A = tpu.sem_alloc : memref<!tpu.dma_semaphore, #tpu.memory_space<semaphore_mem>>
        %dma_start3A_87 = arith.constant 0 : i32
        %dma_start3A_88 = tpu.memref_slice %arg4[%mul3A_75, %dma_start3A_87] : memref<131072x128xf32, #tpu.memory_space<hbm>> -> memref<128x128xf32, #tpu.memory_space<hbm>>
        %dma_start3A_89 = arith.constant 0 : i32
        %dma_start3A_90 = tpu.memref_slice %arg4[%mul3A_75, %dma_start3A_89] : memref<131072x128xf32, #tpu.memory_space<hbm>> -> memref<128x128xf32, #tpu.memory_space<hbm>>
        tpu.enqueue_dma source(%arg8 : memref<128x128xf32, #tpu.memory_space<vmem>>) target(%dma_start3A_90 : memref<128x128xf32, #tpu.memory_space<hbm>>) target_semaphore(%run_scoped3A : memref<!tpu.dma_semaphore, #tpu.memory_space<semaphore_mem>>)
        %dma_wait3A_91 = arith.constant 0 : i32
        %dma_wait3A_92 = tpu.memref_slice %arg4[%mul3A_75, %dma_wait3A_91] : memref<131072x128xf32, #tpu.memory_space<hbm>> -> memref<128x128xf32, #tpu.memory_space<hbm>>
        %dma_wait3A_93 = arith.constant 0 : i32
        %dma_wait3A_94 = tpu.memref_slice %arg4[%mul3A_75, %dma_wait3A_93] : memref<131072x128xf32, #tpu.memory_space<hbm>> -> memref<128x128xf32, #tpu.memory_space<hbm>>
        tpu.wait_dma2 semaphore(%run_scoped3A : memref<!tpu.dma_semaphore, #tpu.memory_space<semaphore_mem>>) src(%arg8 : memref<128x128xf32, #tpu.memory_space<vmem>>) dst(%dma_wait3A_94 : memref<128x128xf32, #tpu.memory_space<hbm>>)
        tpu.yield
      }) : () -> ()
      %dma_wait3A_76 = arith.constant 0 : i32
      %dma_wait3A_77 = tpu.memref_slice %arg5[%add3A_37, %dma_wait3A_76] : memref<32x128xi32, #tpu.memory_space<vmem>> -> memref<1x128xi32, #tpu.memory_space<vmem>>
      %dma_wait3A_78 = tpu.memref_squeeze %dma_wait3A_77 : memref<1x128xi32, #tpu.memory_space<vmem>> -> memref<128xi32, #tpu.memory_space<vmem>>
      %dma_wait3A_79 = arith.constant 0 : i32
      %dma_wait3A_80 = arith.constant 0 : i32
      %dma_wait3A_81 = tpu.memref_slice %arg2[%dma_wait3A_79, %dma_wait3A_80] : memref<65536x128xf32, #tpu.memory_space<hbm>> -> memref<65536x128xf32, #tpu.memory_space<hbm>>
      tpu.wait_indirect_dma semaphore(%arg13 : memref<!tpu.dma_semaphore, #tpu.memory_space<semaphore_mem>>) src(%dma_wait3A_81 : memref<65536x128xf32, #tpu.memory_space<hbm>>) dst(%arg9 : memref<128x128xf32, #tpu.memory_space<vmem>>)
      %add3A_82 = arith.addi %mul3A_4, %mul3A_12 : i32
      %add3A_83 = arith.constant 3 : i32
      %add3A_84 = arith.addi %add3A_82, %add3A_83 : i32
      %mul3A_85 = arith.constant 128 : i32
      %mul3A_86 = arith.muli %add3A_84, %mul3A_85 : i32
      "tpu.region"() ({
        %run_scoped3A = tpu.sem_alloc : memref<!tpu.dma_semaphore, #tpu.memory_space<semaphore_mem>>
        %dma_start3A_87 = arith.constant 0 : i32
        %dma_start3A_88 = tpu.memref_slice %arg4[%mul3A_86, %dma_start3A_87] : memref<131072x128xf32, #tpu.memory_space<hbm>> -> memref<128x128xf32, #tpu.memory_space<hbm>>
        %dma_start3A_89 = arith.constant 0 : i32
        %dma_start3A_90 = tpu.memref_slice %arg4[%mul3A_86, %dma_start3A_89] : memref<131072x128xf32, #tpu.memory_space<hbm>> -> memref<128x128xf32, #tpu.memory_space<hbm>>
        tpu.enqueue_dma source(%arg9 : memref<128x128xf32, #tpu.memory_space<vmem>>) target(%dma_start3A_90 : memref<128x128xf32, #tpu.memory_space<hbm>>) target_semaphore(%run_scoped3A : memref<!tpu.dma_semaphore, #tpu.memory_space<semaphore_mem>>)
        %dma_wait3A_91 = arith.constant 0 : i32
        %dma_wait3A_92 = tpu.memref_slice %arg4[%mul3A_86, %dma_wait3A_91] : memref<131072x128xf32, #tpu.memory_space<hbm>> -> memref<128x128xf32, #tpu.memory_space<hbm>>
        %dma_wait3A_93 = arith.constant 0 : i32
        %dma_wait3A_94 = tpu.memref_slice %arg4[%mul3A_86, %dma_wait3A_93] : memref<131072x128xf32, #tpu.memory_space<hbm>> -> memref<128x128xf32, #tpu.memory_space<hbm>>
        tpu.wait_dma2 semaphore(%run_scoped3A : memref<!tpu.dma_semaphore, #tpu.memory_space<semaphore_mem>>) src(%arg9 : memref<128x128xf32, #tpu.memory_space<vmem>>) dst(%dma_wait3A_94 : memref<128x128xf32, #tpu.memory_space<hbm>>)
        tpu.yield
      }) : () -> ()
    }
    %scan3A_9 = arith.constant 8 : i32
    return
  }
}

module attributes {stable_mosaic.version = 14 : i64} {
  func.func @_prep_body(%arg0: i32, %arg1: i32, %arg2: memref<1x64x1024xf32, #tpu.memory_space<vmem>>, %arg3: memref<1x1024x128xf32, #tpu.memory_space<vmem>>, %arg4: memref<1x1024x72xbf16, #tpu.memory_space<vmem>>) attributes {dimension_semantics = [#tpu.dimension_semantics<arbitrary>, #tpu.dimension_semantics<arbitrary>], iteration_bounds = array<i64: 8, 8>, scalar_prefetch = 0 : i64, scratch_operands = 0 : i64, tpu.core_type = #tpu.core_type<tc>, window_params = [{transform_indices = @transform_0, window_bounds = array<i64: 1, 64, 1024>}, {transform_indices = @transform_1, window_bounds = array<i64: 1, 1024, 128>}, {transform_indices = @transform_2, window_bounds = array<i64: 1, 1024, 72>}]} {
    %get3A = arith.constant 0 : index
    %get3A_0 = arith.constant 0 : index
    %get3A_1 = arith.constant 0 : index
    %get3A_2 = vector.load %arg2[%get3A, %get3A_0, %get3A_1] : memref<1x64x1024xf32, #tpu.memory_space<vmem>>, vector<1x64x1024xf32>
    %get3A_3 = vector.shape_cast %get3A_2 : vector<1x64x1024xf32> to vector<64x1024xf32>
    %transpose3A = tpu.transpose %get3A_3, [1, 0] : vector<64x1024xf32> -> vector<1024x64xf32>
    %broadcast_in_dim3A = arith.constant 0.000000e+00 : f32
    %broadcast_in_dim3A_4 = vector.broadcast %broadcast_in_dim3A : f32 to vector<1024x64xf32>
    %concatenate3A = tpu.concatenate %transpose3A, %broadcast_in_dim3A_4 in 1 : vector<1024x64xf32>, vector<1024x64xf32> -> vector<1024x128xf32>
    %swap3A = arith.constant 0 : index
    %swap3A_5 = arith.constant 0 : index
    %swap3A_6 = arith.constant 0 : index
    %swap3A_7 = vector.load %arg3[%swap3A, %swap3A_5, %swap3A_6] : memref<1x1024x128xf32, #tpu.memory_space<vmem>>, vector<1x1024x128xf32>
    %swap3A_8 = vector.shape_cast %swap3A_7 : vector<1x1024x128xf32> to vector<1024x128xf32>
    %swap3A_9 = vector.shape_cast %concatenate3A : vector<1024x128xf32> to vector<1x1024x128xf32>
    tpu.vector_store %arg3[%swap3A, %swap3A_5, %swap3A_6], %swap3A_9 {strides = array<i32>} : memref<1x1024x128xf32, #tpu.memory_space<vmem>>, vector<1x1024x128xf32>,
    %mul3A = arith.constant -2.000000e+00 : f32
    %mul3A_10 = vector.broadcast %mul3A : f32 to vector<1024x64xf32>
    %mul3A_11 = arith.mulf %transpose3A, %mul3A_10 : vector<1024x64xf32>
    %convert_element_type3A = arith.truncf %mul3A_11 : vector<1024x64xf32> to vector<1024x64xbf16>
    %mul3A_12 = arith.mulf %transpose3A, %transpose3A : vector<1024x64xf32>
    %reduce_sum3A = arith.constant dense<0.000000e+00> : vector<1024xf32>
    %reduce_sum3A_13 = vector.multi_reduction <add>, %mul3A_12, %reduce_sum3A [1] : vector<1024x64xf32> to vector<1024xf32>
    %broadcast_in_dim3A_14 = vector.shape_cast %reduce_sum3A_13 : vector<1024xf32> to vector<1024x1xf32>
    %convert_element_type3A_15 = arith.truncf %broadcast_in_dim3A_14 : vector<1024x1xf32> to vector<1024x1xbf16>
    %convert_element_type3A_16 = arith.extf %convert_element_type3A_15 : vector<1024x1xbf16> to vector<1024x1xf32>
    %sub3A = arith.subf %broadcast_in_dim3A_14, %convert_element_type3A_16 : vector<1024x1xf32>
    %convert_element_type3A_17 = arith.truncf %sub3A : vector<1024x1xf32> to vector<1024x1xbf16>
    %convert_element_type3A_18 = arith.extf %convert_element_type3A_17 : vector<1024x1xbf16> to vector<1024x1xf32>
    %sub3A_19 = arith.subf %sub3A, %convert_element_type3A_18 : vector<1024x1xf32>
    %convert_element_type3A_20 = arith.truncf %sub3A_19 : vector<1024x1xf32> to vector<1024x1xbf16>
    %broadcast_in_dim3A_21 = arith.constant 0.000000e+00 : bf16
    %broadcast_in_dim3A_22 = vector.broadcast %broadcast_in_dim3A_21 : bf16 to vector<1024x5xbf16>
    %concatenate3A_23 = tpu.concatenate %convert_element_type3A, %convert_element_type3A_15, %convert_element_type3A_17, %convert_element_type3A_20, %broadcast_in_dim3A_22 in 1 : vector<1024x64xbf16>, vector<1024x1xbf16>, vector<1024x1xbf16>, vector<1024x1xbf16>, vector<1024x5xbf16> -> vector<1024x72xbf16>
    %swap3A_24 = arith.constant 0 : index
    %swap3A_25 = arith.constant 0 : index
    %swap3A_26 = arith.constant 0 : index
    %swap3A_27 = vector.load %arg4[%swap3A_24, %swap3A_25, %swap3A_26] : memref<1x1024x72xbf16, #tpu.memory_space<vmem>>, vector<1x1024x72xbf16>
    %swap3A_28 = vector.shape_cast %swap3A_27 : vector<1x1024x72xbf16> to vector<1024x72xbf16>
    %swap3A_29 = vector.shape_cast %concatenate3A_23 : vector<1024x72xbf16> to vector<1x1024x72xbf16>
    tpu.vector_store %arg4[%swap3A_24, %swap3A_25, %swap3A_26], %swap3A_29 {strides = array<i32>} : memref<1x1024x72xbf16, #tpu.memory_space<vmem>>, vector<1x1024x72xbf16>,
    return
  }
  func.func @transform_0(%arg0: i32, %arg1: i32) -> (i32, i32, i32) {
    %c0_i32 = arith.constant 0 : i32
    %c0_i32_0 = arith.constant 0 : i32
    return %arg0, %c0_i32, %arg1 : i32, i32, i32
  }
  func.func @transform_1(%arg0: i32, %arg1: i32) -> (i32, i32, i32) {
    %c0_i32 = arith.constant 0 : i32
    %c0_i32_0 = arith.constant 0 : i32
    return %arg0, %arg1, %c0_i32 : i32, i32, i32
  }
  func.func @transform_2(%arg0: i32, %arg1: i32) -> (i32, i32, i32) {
    %c0_i32 = arith.constant 0 : i32
    %c0_i32_0 = arith.constant 0 : i32
    return %arg0, %arg1, %c0_i32 : i32, i32, i32
  }
}

module attributes {stable_mosaic.version = 14 : i64} {
  func.func @_asm_body(%arg0: i32, %arg1: i32, %arg2: memref<1x1x1024x128xf32, #tpu.memory_space<vmem>>, %arg3: memref<1x1x64x1024xf32, #tpu.memory_space<vmem>>, %arg4: memref<1x1x64x1024xf32, #tpu.memory_space<vmem>>, %arg5: memref<16x1xf32, #tpu.memory_space<smem>>) attributes {dimension_semantics = [#tpu.dimension_semantics<arbitrary>, #tpu.dimension_semantics<arbitrary>], iteration_bounds = array<i64: 16, 8>, scalar_prefetch = 0 : i64, scratch_operands = 0 : i64, tpu.core_type = #tpu.core_type<tc>, window_params = [{transform_indices = @transform_0, window_bounds = array<i64: 1, 1, 1024, 128>}, {transform_indices = @transform_1, window_bounds = array<i64: 1, 1, 64, 1024>}, {transform_indices = @transform_2, window_bounds = array<i64: 1, 1, 64, 1024>}, {transform_indices = @transform_3, window_bounds = array<i64: 16, 1>}]} {
    %get3A = arith.constant 0 : index
    %get3A_0 = arith.constant 0 : index
    %get3A_1 = arith.constant 0 : index
    %get3A_2 = arith.constant 0 : index
    %get3A_3 = vector.load %arg2[%get3A, %get3A_0, %get3A_1, %get3A_2] : memref<1x1x1024x128xf32, #tpu.memory_space<vmem>>, vector<1x1x1024x64xf32>
    %get3A_4 = vector.shape_cast %get3A_3 : vector<1x1x1024x64xf32> to vector<1024x64xf32>
    %get3A_5 = arith.constant 0 : index
    %get3A_6 = arith.constant 0 : index
    %get3A_7 = arith.constant 0 : index
    %get3A_8 = arith.constant 0 : index
    %get3A_9 = vector.load %arg3[%get3A_5, %get3A_6, %get3A_7, %get3A_8] : memref<1x1x64x1024xf32, #tpu.memory_space<vmem>>, vector<1x1x64x1024xf32>
    %get3A_10 = vector.shape_cast %get3A_9 : vector<1x1x64x1024xf32> to vector<64x1024xf32>
    %transpose3A = tpu.transpose %get3A_4, [1, 0] : vector<1024x64xf32> -> vector<64x1024xf32>
    %sub3A = arith.subf %transpose3A, %get3A_10 : vector<64x1024xf32>
    %add3A = arith.addf %get3A_10, %sub3A : vector<64x1024xf32>
    %swap3A = arith.constant 0 : index
    %swap3A_11 = arith.constant 0 : index
    %swap3A_12 = arith.constant 0 : index
    %swap3A_13 = arith.constant 0 : index
    %swap3A_14 = vector.load %arg4[%swap3A, %swap3A_11, %swap3A_12, %swap3A_13] : memref<1x1x64x1024xf32, #tpu.memory_space<vmem>>, vector<1x1x64x1024xf32>
    %swap3A_15 = vector.shape_cast %swap3A_14 : vector<1x1x64x1024xf32> to vector<64x1024xf32>
    %swap3A_16 = vector.shape_cast %add3A : vector<64x1024xf32> to vector<1x1x64x1024xf32>
    tpu.vector_store %arg4[%swap3A, %swap3A_11, %swap3A_12, %swap3A_13], %swap3A_16 {strides = array<i32>} : memref<1x1x64x1024xf32, #tpu.memory_space<vmem>>, vector<1x1x64x1024xf32>,
    %eq3A = arith.constant 0 : i32
    %eq3A_17 = arith.cmpi eq, %arg1, %eq3A : i32
    %convert_element_type3A = arith.extui %eq3A_17 : i1 to i32
    %cond3A = arith.constant 0 : i32
    %cond3A_18 = arith.cmpi ne, %convert_element_type3A, %cond3A : i32
    scf.if %cond3A_18 {
      %swap3A_30 = arith.constant 0.000000e+00 : f32
      %swap3A_31 = arith.index_cast %arg0 : i32 to index
      %swap3A_32 = arith.constant 0 : index
      %swap3A_33 = memref.load %arg5[%swap3A_31, %swap3A_32] : memref<16x1xf32, #tpu.memory_space<smem>>
      memref.store %swap3A_30, %arg5[%swap3A_31, %swap3A_32] : memref<16x1xf32, #tpu.memory_space<smem>>
    } else {
    }
    %get3A_19 = arith.index_cast %arg0 : i32 to index
    %get3A_20 = arith.constant 0 : index
    %get3A_21 = memref.load %arg5[%get3A_19, %get3A_20] : memref<16x1xf32, #tpu.memory_space<smem>>
    %mul3A = arith.mulf %sub3A, %sub3A : vector<64x1024xf32>
    %reduce_sum3A = vector.shape_cast %mul3A : vector<64x1024xf32> to vector<1x64x1024xf32>
    %reduce_sum3A_22 = arith.constant dense<0.000000e+00> : vector<1xf32>
    %reduce_sum3A_23 = vector.multi_reduction <add>, %reduce_sum3A, %reduce_sum3A_22 [1, 2] : vector<1x64x1024xf32> to vector<1xf32>
    %reduce_sum3A_24 = vector.shape_cast %reduce_sum3A_23 : vector<1xf32> to vector<1x1x1xf32>
    %reduce_sum3A_25 = vector.extract %reduce_sum3A_24[0, 0, 0] : f32 from vector<1x1x1xf32>
    %add3A_26 = arith.addf %get3A_21, %reduce_sum3A_25 : f32
    %swap3A_27 = arith.index_cast %arg0 : i32 to index
    %swap3A_28 = arith.constant 0 : index
    %swap3A_29 = memref.load %arg5[%swap3A_27, %swap3A_28] : memref<16x1xf32, #tpu.memory_space<smem>>
    memref.store %add3A_26, %arg5[%swap3A_27, %swap3A_28] : memref<16x1xf32, #tpu.memory_space<smem>>
    return
  }
  func.func @transform_0(%arg0: i32, %arg1: i32) -> (i32, i32, i32, i32) {
    %c0_i32 = arith.constant 0 : i32
    %c0_i32_0 = arith.constant 0 : i32
    %c0_i32_1 = arith.constant 0 : i32
    return %arg1, %arg0, %c0_i32, %c0_i32_0 : i32, i32, i32, i32
  }
  func.func @transform_1(%arg0: i32, %arg1: i32) -> (i32, i32, i32, i32) {
    %c0_i32 = arith.constant 0 : i32
    %c0_i32_0 = arith.constant 0 : i32
    %c0_i32_1 = arith.constant 0 : i32
    return %arg0, %arg1, %c0_i32, %c0_i32_0 : i32, i32, i32, i32
  }
  func.func @transform_2(%arg0: i32, %arg1: i32) -> (i32, i32, i32, i32) {
    %c0_i32 = arith.constant 0 : i32
    %c0_i32_0 = arith.constant 0 : i32
    %c0_i32_1 = arith.constant 0 : i32
    return %arg0, %arg1, %c0_i32, %c0_i32_0 : i32, i32, i32, i32
  }
  func.func @transform_3(%arg0: i32, %arg1: i32) -> (i32, i32) {
    %c0_i32 = arith.constant 0 : i32
    %c0_i32_0 = arith.constant 0 : i32
    %c0_i32_1 = arith.constant 0 : i32
    return %c0_i32, %c0_i32_0 : i32, i32
  }
}

module attributes {stable_mosaic.version = 14 : i64} {
  func.func @_argmin_body(%arg0: i32, %arg1: i32, %arg2: memref<1x1x64x1024xf32, #tpu.memory_space<vmem>>, %arg3: memref<1x8192x72xbf16, #tpu.memory_space<vmem>>, %arg4: memref<1x1x1x1024xi32, #tpu.memory_space<vmem>>) attributes {dimension_semantics = [#tpu.dimension_semantics<arbitrary>, #tpu.dimension_semantics<arbitrary>], iteration_bounds = array<i64: 8, 16>, scalar_prefetch = 0 : i64, scratch_operands = 0 : i64, tpu.core_type = #tpu.core_type<tc>, window_params = [{transform_indices = @transform_0, window_bounds = array<i64: 1, 1, 64, 1024>}, {transform_indices = @transform_1, window_bounds = array<i64: 1, 8192, 72>}, {transform_indices = @transform_2, window_bounds = array<i64: 1, 1, 1, 1024>}]} {
    %get3A = arith.constant 0 : index
    %get3A_0 = arith.constant 0 : index
    %get3A_1 = arith.constant 0 : index
    %get3A_2 = arith.constant 0 : index
    %get3A_3 = vector.load %arg2[%get3A, %get3A_0, %get3A_1, %get3A_2] : memref<1x1x64x1024xf32, #tpu.memory_space<vmem>>, vector<1x1x64x1024xf32>
    %get3A_4 = vector.shape_cast %get3A_3 : vector<1x1x64x1024xf32> to vector<64x1024xf32>
    %convert_element_type3A = arith.truncf %get3A_4 : vector<64x1024xf32> to vector<64x1024xbf16>
    %iota3A = tpu.iota {dimensions = array<i32: 0>} : vector<8x1024xi32>
    %lt3A = arith.constant 3 : i32
    %lt3A_5 = vector.broadcast %lt3A : i32 to vector<8x1024xi32>
    %lt3A_6 = arith.cmpi slt, %iota3A, %lt3A_5 : vector<8x1024xi32>
    %jit3A = arith.constant 1.000000e+00 : f32
    %jit3A_7 = arith.constant 0.000000e+00 : f32
    %broadcast_in_dim3A = vector.broadcast %jit3A : f32 to vector<8x1024xf32>
    %broadcast_in_dim3A_8 = vector.broadcast %jit3A_7 : f32 to vector<8x1024xf32>
    %select_n3A = arith.select %lt3A_6, %broadcast_in_dim3A, %broadcast_in_dim3A_8 : vector<8x1024xi1>, vector<8x1024xf32>
    %convert_element_type3A_9 = arith.truncf %select_n3A : vector<8x1024xf32> to vector<8x1024xbf16>
    %concatenate3A = tpu.concatenate %convert_element_type3A, %convert_element_type3A_9 in 0 : vector<64x1024xbf16>, vector<8x1024xbf16> -> vector<72x1024xbf16>
    %get3A_10 = arith.constant 0 : index
    %get3A_11 = arith.constant 0 : index
    %get3A_12 = arith.constant 0 : index
    %get3A_13 = vector.load %arg3[%get3A_10, %get3A_11, %get3A_12] : memref<1x8192x72xbf16, #tpu.memory_space<vmem>>, vector<1x8192x72xbf16>
    %get3A_14 = vector.shape_cast %get3A_13 : vector<1x8192x72xbf16> to vector<8192x72xbf16>
    %dot_general3A = arith.constant dense<0.000000e+00> : vector<8192x1024xf32>
    %dot_general3A_15 = tpu.matmul %get3A_14, %concatenate3A, %dot_general3A {dimension_numbers = #tpu.dot_dimension_numbers<[1], [0], [0], [1], [0, 0, 1, 1], [], []>, transpose_lhs_hint = false} : vector<8192x72xbf16>, vector<72x1024xbf16>, vector<8192x1024xf32> -> vector<8192x1024xf32>
    %argmin3A = tpu.reduce_index %dot_general3A_15 {axis = 0 : i32, kind = #tpu.reduction_kind<arg_min>} : vector<8192x1024xf32> -> vector<1024xi32>
    %mul3A = arith.constant 8192 : i32
    %mul3A_16 = arith.muli %arg0, %mul3A : i32
    %add3A = vector.broadcast %mul3A_16 : i32 to vector<1024xi32>
    %add3A_17 = arith.addi %argmin3A, %add3A : vector<1024xi32>
    %swap3A = arith.constant 0 : index
    %swap3A_18 = arith.constant 0 : index
    %swap3A_19 = arith.constant 0 : index
    %swap3A_20 = arith.constant 0 : index
    %swap3A_21 = vector.load %arg4[%swap3A, %swap3A_18, %swap3A_19, %swap3A_20] : memref<1x1x1x1024xi32, #tpu.memory_space<vmem>>, vector<1x1x1x1024xi32>
    %swap3A_22 = vector.shape_cast %swap3A_21 : vector<1x1x1x1024xi32> to vector<1024xi32>
    %swap3A_23 = vector.shape_cast %add3A_17 : vector<1024xi32> to vector<1x1x1x1024xi32>
    tpu.vector_store %arg4[%swap3A, %swap3A_18, %swap3A_19, %swap3A_20], %swap3A_23 {strides = array<i32>} : memref<1x1x1x1024xi32, #tpu.memory_space<vmem>>, vector<1x1x1x1024xi32>,
    return
  }
  func.func @transform_0(%arg0: i32, %arg1: i32) -> (i32, i32, i32, i32) {
    %c0_i32 = arith.constant 0 : i32
    %c0_i32_0 = arith.constant 0 : i32
    %c0_i32_1 = arith.constant 0 : i32
    return %arg1, %arg0, %c0_i32, %c0_i32_0 : i32, i32, i32, i32
  }
  func.func @transform_1(%arg0: i32, %arg1: i32) -> (i32, i32, i32) {
    %c0_i32 = arith.constant 0 : i32
    %c0_i32_0 = arith.constant 0 : i32
    %c0_i32_1 = arith.constant 0 : i32
    return %arg0, %c0_i32, %c0_i32_0 : i32, i32, i32
  }
  func.func @transform_2(%arg0: i32, %arg1: i32) -> (i32, i32, i32, i32) {
    %c0_i32 = arith.constant 0 : i32
    %c0_i32_0 = arith.constant 0 : i32
    %c0_i32_1 = arith.constant 0 : i32
    return %arg0, %arg1, %c0_i32, %c0_i32_0 : i32, i32, i32, i32
  }
}

</mosaic_0001>

<sc_bundles>
// kernel: kernel.6.cloned.1.call-start
scs
__scs_entry_jumppad:
0x0: {  	(pc) =	sbr.rel $0x88, $3  }
0x1: {  	(tag) =	ssettag $0x0;
	lr =	simm.s32 $0x1  }
0x2: {  	[smem:$0x3F9F] =	sst lr;
	_ =	strace $0xD0000000  }
0x3: {  	_ = 	snop  }
0x4: {  	_ = 	snop  }
0x5: {  	_ = 	snop  }
0x6: {  	_ = 	snop  }
0x7: {  	_ = 	snop  }
__scs_overlays_trampoline_lowered:
0x8: {  	[smem:$0x3FAE] =	sst s0  }
0x9: {  	[smem:$0x3FAF] =	sst s1  }
0xa: {  	[smem:$0x3FB0] =	sst s2  }
0xb: {  	[smem:$0x3FB1] =	sst s3  }
0xc: {  	[smem:$0x3FB2] =	sst s4  }
0xd: {  	[smem:$0x3FB3] =	sst s5  }
0xe: {  	[smem:$0x3FB4] =	sst s6  }
0xf: {  	[smem:$0x3FB5] =	sst s7  }
0x10: {  	[smem:$0x3FB6] =	sst s8  }
0x11: {  	[smem:$0x3FB7] =	sst s9;
	s0 =	simm.s32 @!p0 $0x0  }
0x12: {  	s1 =	sld [smem:$0x3F9D];
	s0 =	simm.s32 @p0 $0x1  }
0x13: {  	[smem:$0x3FB8] =	sst s0;
	s0 =	simm.s32 @!p1 $0x0  }
0x14: {  	s2 =	sld [smem:$0x3F9C];
	s0 =	simm.s32 @p1 $0x1  }
0x15: {  	[smem:$0x3FB9] =	sst s0;
	s0 =	simm.s32 @!p2 $0x0  }
0x16: {  	s3 =	sld [smem:$0x3FDB];
	s0 =	simm.s32 @p2 $0x1  }
0x17: {  	s4 =	simm.s32 $0x1BF5;
	[smem:$0x3FBB] =	sst s0  }
0x18: {  	s0 =	sld [smem:$0x3F9E];
	_ =	swait.ge [sflag:s4], $0x0  }
0x19: {  	s7 =	sld [smem:$0x3F9F]  }
0x1a: {  	s8 =	sadd.s32 $0xFFFFE003, lr  }
0x1b: {  	s9 =	sadd.s32 $0xFFFFFEF7, lr;
	s5 =	simm.s32 $0xFFFFFFFF;
	p2 =	slt.u32 s8, $0xFFFFF086  }
0x1c: {  	p1 =	slt.u32 s9, $0xF7A;
	s5 =	simm.s32 @!p2 $0x0  }
0x1d: {  	s5 =	simm.s32 @p1 $0x1;
	p0 =	seq.s32 s7, s2  }
0x1e: {  	s7 =	smul.u32 @!p0 $0xF7A, s2;
	p2 =	seq.s32 @!p0 s5, $0x0  }
0x1f: {  	s9 =	smul.u32 $0xF7A, s1;
	s8 =	simm.s32 @!p0 $0x1BF5;
	p2 =	por !p2, p0  }
0x20: {  	[sflag:s8] =	ssyncset.s32 @!p0 $0xFFFFF086;
	s6 =	sadd.s32 @!p0 s3, s7;
	s7 =	simm.s32 @!p0 $0x108  }
0x21: {  	s3 =	sadd.s32 s3, s9;
	s6 =	sadd.s32 @!p0 $0x88, s6;
	s7 =	simm.s32 @p2 $0x1082  }
0x22: {  	[simem:s7], [sflag:s8] =	dma.local @!p0 [hbm:s6], $0xF7A  }
0x23: {  	s9 =	sor.u32 $0xD0000000, s2;
	s6 =	simm.s32 $0x108;
	_ =	swait.ge @!p0 [sflag:s8], $0x0  }
0x24: {  	s3 =	sadd.s32 $0x88, s3;
	s6 =	simm.s32 @!p1 $0x1082;
	[sflag:s4] =	ssyncset.s32 $0xFFFFF086  }
0x25: {  	[simem:s6], [sflag:s4] =	dma.local [hbm:s3], $0xF7A  }
0x26: {  	[smem:$0x3F9F] =	sst s1;
	(tag) =	ssettag s2;
	_ =	strace s9  }
0x27: {  	s1 =	sld [smem:$0x3FAF]  }
0x28: {  	s2 =	sld [smem:$0x3FB0]  }
0x29: {  	s4 =	sld [smem:$0x3FB2]  }
0x2a: {  	p0 =	seq.s32 s5, $0x0;
	s5 =	sld [smem:$0x3FB3]  }
0x2b: {  	s6 =	sld [smem:$0x3FB4]  }
0x2c: {  	s7 =	sld [smem:$0x3FB5]  }
0x2d: {  	s3 =	simm.s32 $0x108;
	s8 =	sld [smem:$0x3FB6]  }
0x2e: {  	s3 =	simm.s32 @!p0 $0x1082;
	s9 =	sld [smem:$0x3FB7]  }
0x2f: {  	lr =	sadd.s32 s0, s3;
	s0 =	sld [smem:$0x3FAE]  }
0x30: {  	s3 =	sld [smem:$0x3FB1]  }
0x31: {  	[smem:$0x3FBA] =	sst s10  }
0x32: {  	s10 =	sld [smem:$0x3FB8];
	_ =	sdelay $0x3  }
0x33: {  	p0 =	seq.s32 s10, $0x1;
	s10 =	sld [smem:$0x3FBA];
	_ =	sdelay $0x3  }
0x34: {  	[smem:$0x3FBA] =	sst s10  }
0x35: {  	s10 =	sld [smem:$0x3FB9];
	_ =	sdelay $0x3  }
0x36: {  	p1 =	seq.s32 s10, $0x1;
	s10 =	sld [smem:$0x3FBA];
	_ =	sdelay $0x3  }
0x37: {  	[smem:$0x3FBA] =	sst s10  }
0x38: {  	s10 =	sld [smem:$0x3FBB]  }
0x39: {  	_ = 	snop;
	(pc) =	sbr.ind lr, $3  }
0x3a: {  	_ = 	snop  }
0x3b: {  	_ = 	snop  }
0x3c: {  	p2 =	seq.s32 s10, $0x1;
	s10 =	sld [smem:$0x3FBA]  }
0x3d: {  	_ =	shalt  }
0x3e: {  	_ =	shalt  }
0x3f: {  	_ =	shalt  }
0x40: {  	_ =	shalt  }
0x41: {  	_ =	shalt  }
0x42: {  	_ =	shalt  }
0x43: {  	_ =	shalt  }
0x44: {  	_ =	shalt  }
0x45: {  	_ =	shalt  }
0x46: {  	_ =	shalt  }
0x47: {  	_ =	shalt  }
0x48: {  	_ =	shalt  }
0x49: {  	_ =	shalt  }
0x4a: {  	_ =	shalt  }
0x4b: {  	_ =	shalt  }
0x4c: {  	_ =	shalt  }
0x4d: {  	_ =	shalt  }
0x4e: {  	_ =	shalt  }
0x4f: {  	_ =	shalt  }
0x50: {  	_ =	shalt  }
0x51: {  	_ =	shalt  }
0x52: {  	_ =	shalt  }
0x53: {  	_ =	shalt  }
0x54: {  	_ =	shalt  }
0x55: {  	_ =	shalt  }
0x56: {  	_ =	shalt  }
0x57: {  	_ =	shalt  }
0x58: {  	_ =	shalt  }
0x59: {  	_ =	shalt  }
0x5a: {  	_ =	shalt  }
0x5b: {  	_ =	shalt  }
0x5c: {  	_ =	shalt  }
0x5d: {  	_ =	shalt  }
0x5e: {  	_ =	shalt  }
0x5f: {  	_ =	shalt  }
0x60: {  	_ =	shalt  }
0x61: {  	_ =	shalt  }
0x62: {  	_ =	shalt  }
0x63: {  	_ =	shalt  }
0x64: {  	_ =	shalt  }
0x65: {  	_ =	shalt  }
0x66: {  	_ =	shalt  }
0x67: {  	_ =	shalt  }
0x68: {  	_ =	shalt  }
0x69: {  	_ =	shalt  }
0x6a: {  	_ =	shalt  }
0x6b: {  	_ =	shalt  }
0x6c: {  	_ =	shalt  }
0x6d: {  	_ =	shalt  }
0x6e: {  	_ =	shalt  }
0x6f: {  	_ =	shalt  }
0x70: {  	_ =	shalt  }
0x71: {  	_ =	shalt  }
0x72: {  	_ =	shalt  }
0x73: {  	_ =	shalt  }
0x74: {  	_ =	shalt  }
0x75: {  	_ =	shalt  }
0x76: {  	_ =	shalt  }
0x77: {  	_ =	shalt  }
0x78: {  	_ =	shalt  }
0x79: {  	_ =	shalt  }
0x7a: {  	_ =	shalt  }
0x7b: {  	_ =	shalt  }
0x7c: {  	_ =	shalt  }
0x7d: {  	_ =	shalt  }
0x7e: {  	_ =	shalt  }
0x7f: {  	_ =	shalt  }
0x80: {  	_ =	shalt  }
0x81: {  	_ =	shalt  }
0x82: {  	_ =	shalt  }
0x83: {  	_ =	shalt  }
0x84: {  	_ =	shalt  }
0x85: {  	_ =	shalt  }
0x86: {  	_ =	shalt  }
0x87: {  	_ =	shalt  }
.Lfunc_end0:
.L_simem_size_0:
called_computation_lowered:
.L_overlay_start_0:
0x88: {  	s2 =	sld [smem:$0x3FD9]  }
0x89: {  	s3 =	sld [smem:$0x3FFE];
	_ =	sdelay $0x1  }
0x8a: {  	s1 =	srdreg.scid  }
0x8b: {  	s0 =	sand.u32 $0x1, s1  }
0x8c: {  	s14 =	sshll.u32 s0, $0xA;
	s2 =	sadd.s32 s3, s2  }
0x8d: {  	s2 =	sadd.s32 s2, s14  }
0x8e: {  	[smem:$0x3FC6] =	sst s2  }
0x8f: {  	_ = 	snop  }
0x90: {  	s2 =	sld [smem:$0x3FD0];
	_ =	sdelay $0x2  }
0x91: {  	s15 =	simm.s32 $0xA;
	s4 =	simm.s32 $0x10  }
0x92: {  	[smem:s4], [sflag:s15] =	dma.local [hbm:s2], $0x1  }
0x93: {  	_ =	swait.eq [sflag:s15], $0x1  }
0x94: {  	[sflag:s15] =	ssyncset.done $0x0  }
0x95: {  	[sflag:s15] =	ssyncadd.s32 $0xFFFFFFFF  }
0x96: {  	s16 =	sld [smem:$0x10];
	(tm) =	ssettm $0x1  }
0x97: {  	s17 =	sld [smem:$0x3FFB];
	_ =	sdelay $0x3  }
0x98: {  	_ =	strace s17  }
0x99: {  	s3 =	sld [smem:$0x3FFC];
	_ =	sdelay $0x3  }
0x9a: {  	_ =	strace s3  }
0x9b: {  	s3 =	sld [smem:$0x3FFD];
	_ =	sdelay $0x3  }
0x9c: {  	_ =	strace s3  }
0x9d: {  	_ =	strace $0x8FFFFFFF  }
0x9e: {  	s18 =	sld [smem:$0x3FDB];
	_ =	sdelay $0x1  }
0x9f: {  	s19 =	simm.s32 $_scs_section_size  }
0xa0: {  	s5 =	simm.s32 $_size__tile_overlayer_lowered;
	s6 =	simm.s32 $_tile_overlayer_lowered  }
0xa1: {  	s22 =	simm.s32 $0x1BFF;
	s21 =	sshll.u32 s6, $0x1;
	s3 =	sadd.s32 s19, s18  }
0xa2: {  	s7 =	simm.s32 $0x0;
	s20 =	sshll.u32 s5, $0x1;
	s5 =	sadd.s32 s21, s3  }
0xa3: {  	[timem:s7], [sflag:s22] =	dma.local [hbm:s5], s20  }
0xa4: {  	_ =	swait.ge [sflag:s22], s20  }
0xa5: {  	s4 =	ssub.s32 $0x0, s20;
	[sflag:s22] =	ssyncset.done $0x0  }
0xa6: {  	[sflag:s22] =	ssyncadd.s32 s4;
	_ =	sdelay $0x1  }
0xa7: {  	s23 =	simm.s32 $0x1B8B  }
0xa8: {  	_ =	swait.ge [sflag:s23], $0x1  }
0xa9: {  	[sflag:s23] =	ssyncset.done $0x0  }
0xaa: {  	s25 =	simm.s32 $0x1B8E;
	s24 =	sld [smem:$0x3FFE];
	[sflag:s23] =	ssyncadd.s32 $0xFFFFFFFF  }
0xab: {  	s26 =	simm.s32 $execute0_lowered;
	[smem:$0x3FD2] =	sst s25  }
0xac: {  	s5 =	sshll.u32 s26, $0x1;
	_ =	strace $0x80000046;
	[dreg:$0x1] =	wrdreg $0xFFFFFFFF  }
0xad: {  	s28 =	simm.s32 $_size_execute0_lowered;
	s3 =	sadd.s32 s3, s5;
	[dreg:$0x0] =	wrdreg $0x0  }
0xae: {  	s5 =	sshll.u32 s28, $0x1;
	[dreg:$0x2] =	wrdreg s3  }
0xaf: {  	[dreg:$0x3] =	wrdreg s5  }
0xb0: {  	[dreg:$0x4] =	wrdreg $0xC0  }
0xb1: {  	_ =	task [dreg:s7], $0x5FFFF  }
0xb2: {  	[dreg:$0x1] =	wrdreg $0xFFFFFFFF  }
0xb3: {  	[dreg:$0x0] =	wrdreg $0x60  }
0xb4: {  	[dreg:$0x2] =	wrdreg s16  }
0xb5: {  	[dreg:$0x3] =	wrdreg s24  }
0xb6: {  	[dreg:$0x4] =	wrdreg $0x9  }
0xb7: {  	_ =	task.clear_ibuf [dreg:s7], $0x5FFFF;
	_ =	strace $0x90000046  }
0xb8: {  	s29 =	simm.s32 $0x9;
	_ =	strace $0x80000048  }
0xb9: {  	_ =	swait.ge [sflag:s29], $0x1  }
0xba: {  	[sflag:s29] =	ssyncadd.s32 $0xFFFFFFFF  }
0xbb: {  	_ =	strace $0x90000048  }
0xbc: {  	_ =	sfence  }
0xbd: {  	s30 =	sld [smem:$0x0];
	_ =	sdelay $0x2  }
0xbe: {  	s31 =	sshll.u32 s1, $0xD;
	s1 =	sshrl.u32 s1, $0x2  }
0xbf: {  	s3 =	sand.u32 $0x4000, s31;
	s1 =	sadd.s32 s1, s30  }
0xc0: {  	s0 =	sor.u32 s3, s0;
	s1 =	sshll.u32 s1, $0x11  }
0xc1: {  	s0 =	sor.u32 s1, s0  }
0xc2: {  	s0 =	sadd.s32 $0x8F2B, s0  }
0xc3: {  	[sflag:s0] =	ssyncadd.remote.s32 $0x1  }
0xc4: {  	_ =	sfence.sel $0xFFFF  }
0xc5: {  	[dreg:$0x0] =	wrdreg $0xFFFFFFFF;
	(pc) =	sbr.abs _section_cstart, $3  }
0xc6: {  	[dreg:$0x1] =	wrdreg $0xFFFFFFFF  }
0xc7: {  	_ =	task.clear_ibuf [dreg:s7], $0x2FFFF;
	_ =	strace $0x9FFFFFFF  }
0xc8: {  	(tm) =	ssettm $0x7FFFFFFF  }
0xc9: {  	_ =	shalt  }
tec
execute0_lowered:
.L_overlay_start_1:
0x0: {  	(tag) =	ssettag $0x1  }
0x1: {  	s1 =	rddreg [dreg:$0x0]  }
0x2: {  	s4 =	rddreg [dreg:$0x1]  }
0x3: {  	s0 =	rddreg [dreg:$0x2];
	s5 =	srdreg.scid  }
0x4: {  	s3 =	simm.s32 $0x0;
	s2 =	stileid.u32;
	s10 =	simm.s32 $0x5000  }
0x5: {  	s11 =	simm.s32 $0x9000;
	s12 =	simm.s32 $0xD000;
	s13 =	simm.s32 $0x1  }
0x6: {  	s14 =	simm.s32 $0x2;
	s15 =	simm.s32 $0x3;
	s16 =	simm.s32 $0x4  }
0x7: {  	s17 =	simm.s32 $0x0;
	s5 =	sand.u32 $0x1, s5;
	[smem:$0x7FF] =	sst s3  }
0x8: {  	s6 =	sshll.u32 s2, $0xA;
	s8 =	sshll.u32 s2, $0x11;
	s7 =	sshll.u32 s5, $0x9  }
0x9: {  	_ =	strace $0x80000047;
	s29 =	ssub.s32 $0x2, s5;
	s8 =	sadd.s32 s8, s4  }
0xa: {  	s30 =	sshll.u32 s5, $0x10;
	s6 =	sor.u32 s7, s6;
	s9 =	sshrl.u32 s29, $0x1  }
0xb: {  	s31 =	sadd.s32 s30, s8;
	s8 =	simm.s32 $0x80;
	s6 =	sadd.s32 s6, s4  }
0xc: {  	s7 =	ssub.s32 s29, s9;
	s9 =	simm.s32 $0x1000;
	s4 =	sadd.s32 $0x100600, s6  }
0xd: {  	s5 =	smax.u32 s7, $0x1;
	s6 =	sadd.s32 $0x105E00, s31;
	s7 =	simm.s32 $0x5  }
.LBB2_1:
0xe: {  	[tilespmem:s3], [sflag:$0x5] =	stream.linear.gather [hbm4b:s4+s3], $0x1000, $0x38;
	[tilespmem:$0x11000] =	vst v63  }
0xf: {  	_ =	swait.ge [sflag:s7], $0x1000  }
0x10: {  	[sflag:s7] =	ssyncset.done $0x0  }
0x11: {  	s18 =	simm.s32 $0x0;
	[sflag:s7] =	ssyncadd.s32 $0xFFFFF000  }
0x12: {  	[tilespmem:s9], [sflag:$0x1] =	stream.indirect.gather [hbm4b:s1+s8], $0x80, s18, s8, $0xb8;
	[tilespmem:$0x11000] =	vst v63  }
0x13: {  	s25 =	simm.s32 $0x80  }
0x14: {  	[tilespmem:s10], [sflag:$0x2] =	stream.indirect.gather [hbm4b:s1+s8], $0x80, s25, s8, $0xb8;
	[tilespmem:$0x11000] =	vst v63  }
0x15: {  	s26 =	simm.s32 $0x100  }
0x16: {  	[tilespmem:s11], [sflag:$0x3] =	stream.indirect.gather [hbm4b:s1+s8], $0x80, s26, s8, $0xb8;
	[tilespmem:$0x11000] =	vst v63  }
0x17: {  	s28 =	simm.s32 $0x180  }
0x18: {  	[tilespmem:s12], [sflag:$0x4] =	stream.indirect.gather [hbm4b:s1+s8], $0x80, s28, s8, $0xb8;
	[tilespmem:$0x11000] =	vst v63  }
0x19: {  	_ =	swait.ge [sflag:s13], $0x4000  }
0x1a: {  	[sflag:s13] =	ssyncset.done $0x0  }
0x1b: {  	s29 =	sadd.s32 $0xFFFFE800, s6;
	[sflag:s13] =	ssyncadd.s32 $0xFFFFC000  }
0x1c: {  	[hbm4b:s29+s3] =	stream.linear.scatter [tilespmem:s9], [sflag:$0x5], $0x4000, $0x38;
	[tilespmem:$0x11000] =	vst v63  }
0x1d: {  	_ =	swait.ge [sflag:s7], $0x4000  }
0x1e: {  	[sflag:s7] =	ssyncset.done $0x0  }
0x1f: {  	[sflag:s7] =	ssyncadd.s32 $0xFFFFC000  }
0x20: {  	_ =	swait.ge [sflag:s14], $0x4000  }
0x21: {  	[sflag:s14] =	ssyncset.done $0x0  }
0x22: {  	s30 =	sadd.s32 $0xFFFFF000, s6;
	[sflag:s14] =	ssyncadd.s32 $0xFFFFC000  }
0x23: {  	[hbm4b:s30+s3] =	stream.linear.scatter [tilespmem:s10], [sflag:$0x5], $0x4000, $0x38;
	[tilespmem:$0x11000] =	vst v63  }
0x24: {  	_ =	swait.ge [sflag:s7], $0x4000  }
0x25: {  	[sflag:s7] =	ssyncset.done $0x0  }
0x26: {  	[sflag:s7] =	ssyncadd.s32 $0xFFFFC000  }
0x27: {  	_ =	swait.ge [sflag:s15], $0x4000  }
0x28: {  	[sflag:s15] =	ssyncset.done $0x0  }
0x29: {  	s31 =	sadd.s32 $0xFFFFF800, s6;
	[sflag:s15] =	ssyncadd.s32 $0xFFFFC000  }
0x2a: {  	[hbm4b:s31+s3] =	stream.linear.scatter [tilespmem:s11], [sflag:$0x5], $0x4000, $0x38;
	[tilespmem:$0x11000] =	vst v63  }
0x2b: {  	_ =	swait.ge [sflag:s7], $0x4000  }
0x2c: {  	[sflag:s7] =	ssyncset.done $0x0  }
0x2d: {  	[sflag:s7] =	ssyncadd.s32 $0xFFFFC000  }
0x2e: {  	_ =	swait.ge [sflag:s16], $0x4000  }
0x2f: {  	[sflag:s16] =	ssyncset.done $0x0  }
0x30: {  	[sflag:s16] =	ssyncadd.s32 $0xFFFFC000  }
0x31: {  	[hbm4b:s6+s3] =	stream.linear.scatter [tilespmem:s12], [sflag:$0x5], $0x4000, $0x38;
	[tilespmem:$0x11000] =	vst v63  }
0x32: {  	s19 =	simm.s32 $0x800;
	_ =	swait.ge [sflag:s7], $0x4000  }
0x33: {  	s21 =	simm.s32 $0x1000;
	s18 =	sadd.s32 $0x2000, s6;
	[sflag:s7] =	ssyncset.done $0x0  }
.LBB2_2:
0x34: {  	s22 =	sshra.s32 s19, $0x2  }
0x35: {  	[sflag:s7] =	ssyncadd.s32 $0xFFFFC000;
	s19 =	smov.u32 s21;
	s20 =	sadd.s32 $0x800, s21  }
0x36: {  	[tilespmem:s9], [sflag:$0x1] =	stream.indirect.gather [hbm4b:s1+s8], $0x80, s22, s8, $0xb8;
	[tilespmem:$0x11000] =	vst v63  }
0x37: {  	p0 =	sne.s32 s21, $0x3800;
	s21 =	sadd.s32 $0x80, s22  }
0x38: {  	[tilespmem:s10], [sflag:$0x2] =	stream.indirect.gather [hbm4b:s1+s8], $0x80, s21, s8, $0xb8;
	[tilespmem:$0x11000] =	vst v63  }
0x39: {  	s21 =	sadd.s32 $0x100, s22  }
0x3a: {  	[tilespmem:s11], [sflag:$0x3] =	stream.indirect.gather [hbm4b:s1+s8], $0x80, s21, s8, $0xb8;
	[tilespmem:$0x11000] =	vst v63  }
0x3b: {  	s21 =	sadd.s32 $0x180, s22  }
0x3c: {  	[tilespmem:s12], [sflag:$0x4] =	stream.indirect.gather [hbm4b:s1+s8], $0x80, s21, s8, $0xb8;
	[tilespmem:$0x11000] =	vst v63  }
0x3d: {  	_ =	swait.ge [sflag:s13], $0x4000  }
0x3e: {  	[sflag:s13] =	ssyncset.done $0x0  }
0x3f: {  	s21 =	sadd.s32 $0xFFFFE800, s18;
	[sflag:s13] =	ssyncadd.s32 $0xFFFFC000  }
0x40: {  	[hbm4b:s21+s3] =	stream.linear.scatter [tilespmem:s9], [sflag:$0x5], $0x4000, $0x38;
	[tilespmem:$0x11000] =	vst v63  }
0x41: {  	_ =	swait.ge [sflag:s7], $0x4000  }
0x42: {  	[sflag:s7] =	ssyncset.done $0x0  }
0x43: {  	[sflag:s7] =	ssyncadd.s32 $0xFFFFC000  }
0x44: {  	_ =	swait.ge [sflag:s14], $0x4000  }
0x45: {  	[sflag:s14] =	ssyncset.done $0x0  }
0x46: {  	s21 =	sadd.s32 $0xFFFFF000, s18;
	[sflag:s14] =	ssyncadd.s32 $0xFFFFC000  }
0x47: {  	[hbm4b:s21+s3] =	stream.linear.scatter [tilespmem:s10], [sflag:$0x5], $0x4000, $0x38;
	[tilespmem:$0x11000] =	vst v63  }
0x48: {  	_ =	swait.ge [sflag:s7], $0x4000  }
0x49: {  	[sflag:s7] =	ssyncset.done $0x0  }
0x4a: {  	[sflag:s7] =	ssyncadd.s32 $0xFFFFC000  }
0x4b: {  	_ =	swait.ge [sflag:s15], $0x4000  }
0x4c: {  	[sflag:s15] =	ssyncset.done $0x0  }
0x4d: {  	s21 =	sadd.s32 $0xFFFFF800, s18;
	[sflag:s15] =	ssyncadd.s32 $0xFFFFC000  }
0x4e: {  	[hbm4b:s21+s3] =	stream.linear.scatter [tilespmem:s11], [sflag:$0x5], $0x4000, $0x38;
	[tilespmem:$0x11000] =	vst v63  }
0x4f: {  	_ =	swait.ge [sflag:s7], $0x4000  }
0x50: {  	[sflag:s7] =	ssyncset.done $0x0  }
0x51: {  	[sflag:s7] =	ssyncadd.s32 $0xFFFFC000  }
0x52: {  	_ =	swait.ge [sflag:s16], $0x4000  }
.Ltmp0:
0x53: {  	[sflag:s16] =	ssyncset.done $0x0;
	(pc) =	sbr.rel @p0 .LBB2_2-.Ltmp0, $4  }
0x54: {  	[sflag:s16] =	ssyncadd.s32 $0xFFFFC000  }
0x55: {  	[hbm4b:s18+s3] =	stream.linear.scatter [tilespmem:s12], [sflag:$0x5], $0x4000, $0x38;
	[tilespmem:$0x11000] =	vst v63  }
0x56: {  	_ =	swait.ge [sflag:s7], $0x4000  }
0x57: {  	s21 =	smov.u32 s20;
	s18 =	sadd.s32 $0x2000, s18;
	[sflag:s7] =	ssyncset.done $0x0  }
0x58: {  	s19 =	sshra.s32 s19, $0x2;
	[sflag:s7] =	ssyncadd.s32 $0xFFFFC000  }
0x59: {  	[tilespmem:s9], [sflag:$0x1] =	stream.indirect.gather [hbm4b:s1+s8], $0x80, s19, s8, $0xb8;
	[tilespmem:$0x11000] =	vst v63  }
0x5a: {  	s20 =	sadd.s32 $0x80, s19  }
0x5b: {  	[tilespmem:s10], [sflag:$0x2] =	stream.indirect.gather [hbm4b:s1+s8], $0x80, s20, s8, $0xb8;
	[tilespmem:$0x11000] =	vst v63  }
0x5c: {  	s28 =	sadd.s32 $0x100, s19  }
0x5d: {  	[tilespmem:s11], [sflag:$0x3] =	stream.indirect.gather [hbm4b:s1+s8], $0x80, s28, s8, $0xb8;
	[tilespmem:$0x11000] =	vst v63  }
0x5e: {  	s19 =	sadd.s32 $0x180, s19  }
0x5f: {  	[tilespmem:s12], [sflag:$0x4] =	stream.indirect.gather [hbm4b:s1+s8], $0x80, s19, s8, $0xb8;
	[tilespmem:$0x11000] =	vst v63  }
0x60: {  	_ =	swait.ge [sflag:s13], $0x4000  }
0x61: {  	[sflag:s13] =	ssyncset.done $0x0  }
0x62: {  	s29 =	sadd.s32 $0xFFFFE800, s18;
	[sflag:s13] =	ssyncadd.s32 $0xFFFFC000  }
0x63: {  	[hbm4b:s29+s3] =	stream.linear.scatter [tilespmem:s9], [sflag:$0x5], $0x4000, $0x38;
	[tilespmem:$0x11000] =	vst v63  }
0x64: {  	_ =	swait.ge [sflag:s7], $0x4000  }
0x65: {  	[sflag:s7] =	ssyncset.done $0x0  }
0x66: {  	[sflag:s7] =	ssyncadd.s32 $0xFFFFC000  }
0x67: {  	_ =	swait.ge [sflag:s14], $0x4000  }
0x68: {  	[sflag:s14] =	ssyncset.done $0x0  }
0x69: {  	s30 =	sadd.s32 $0xFFFFF000, s18;
	[sflag:s14] =	ssyncadd.s32 $0xFFFFC000  }
0x6a: {  	[hbm4b:s30+s3] =	stream.linear.scatter [tilespmem:s10], [sflag:$0x5], $0x4000, $0x38;
	[tilespmem:$0x11000] =	vst v63  }
0x6b: {  	_ =	swait.ge [sflag:s7], $0x4000  }
0x6c: {  	[sflag:s7] =	ssyncset.done $0x0  }
0x6d: {  	[sflag:s7] =	ssyncadd.s32 $0xFFFFC000  }
0x6e: {  	_ =	swait.ge [sflag:s15], $0x4000  }
0x6f: {  	[sflag:s15] =	ssyncset.done $0x0  }
0x70: {  	s31 =	sadd.s32 $0xFFFFF800, s18;
	[sflag:s15] =	ssyncadd.s32 $0xFFFFC000  }
0x71: {  	[hbm4b:s31+s3] =	stream.linear.scatter [tilespmem:s11], [sflag:$0x5], $0x4000, $0x38;
	[tilespmem:$0x11000] =	vst v63  }
0x72: {  	_ =	swait.ge [sflag:s7], $0x4000  }
0x73: {  	[sflag:s7] =	ssyncset.done $0x0  }
0x74: {  	[sflag:s7] =	ssyncadd.s32 $0xFFFFC000  }
0x75: {  	s17 =	sadd.s32 $0x1, s17;
	_ =	swait.ge [sflag:s16], $0x4000  }
0x76: {  	p0 =	sne.s32 s17, s5;
	[sflag:s16] =	ssyncset.done $0x0  }
.Ltmp1:
0x77: {  	[sflag:s16] =	ssyncadd.s32 $0xFFFFC000;
	(pc) =	sbr.rel @p0 .LBB2_1-.Ltmp1, $4  }
0x78: {  	[hbm4b:s18+s3] =	stream.linear.scatter [tilespmem:s12], [sflag:$0x5], $0x4000, $0x38;
	[tilespmem:$0x11000] =	vst v63  }
0x79: {  	_ =	swait.ge [sflag:s7], $0x4000  }
0x7a: {  	[sflag:s7] =	ssyncset.done $0x0  }
0x7b: {  	[sflag:s7] =	ssyncadd.s32 $0xFFFFC000  }
0x7c: {  	_ =	sfence.sel $0x180000  }
0x7d: {  	[bflag:$0x0] =	sbarrier.arrive $0xFFFF  }
0x7e: {  	p0 =	sne.s32 s2, $0x0;
	_ =	strace $0x90000047  }
0x7f: {  	s0 =	sadd.s32 @!p0 $0x100000, s0;
	[bflag:$0x2] =	sbarrier.arrive $0xFFFF  }
0x80: {  	[sflag:s0] =	ssyncadd.tile.s32 @!p0 $0x1;
	_ =	shalt  }
.Lfunc_end2:
_tile_overlayer_lowered:
.L_overlay_start_2:
0x81: {  	(tag) =	ssettag $0x2  }
0x82: {  	s0 =	rddreg [dreg:$0x0];
	s2 =	stileid.u32  }
0x83: {  	s1 =	rddreg [dreg:$0x1];
	p0 =	sne.s32 s2, $0x0  }
0x84: {  	s3 =	rddreg [dreg:$0x2];
	[bflag:$0x3] =	sbarrier.arrive $0xFFFF;
	s2 =	simm.s32 @!p0 $0x1C05  }
0x85: {  	[timem:s3], [sflag:s2] =	dma.local @!p0 [hbm:s0], s1  }
0x86: {  	s0 =	simm.s32 @!p0 $0x5  }
0x87: {  	_ =	swait.ge @!p0 [sflag:s0], s1  }
0x88: {  	s1 =	ssub.s32 @!p0 $0x0, s1;
	[sflag:s0] =	ssyncset.done @!p0 $0x0  }
0x89: {  	[sflag:s0] =	ssyncadd.s32 @!p0 s1  }
0x8a: {  	[bflag:$0x3] =	sbarrier.arrive $0xFFFF  }
0x8b: {  	_ =	shalt  }

</sc_bundles>
